<compile_context>
chip_gen: v7x
topology: tpu7x:2x2x1
jax: 0.10.2.dev20260603
libtpu: 0.0.44.dev20260713+nightly
codegen_flags: <defaults>
</compile_context>

<pallas_src>
import functools

import jax
import jax.numpy as jnp
from jax import lax
from jax.experimental import pallas as pl
from jax.experimental.pallas import tpu as pltpu
from jax.experimental.pallas import tpu_sc as plsc

_CHUNK = 128


@functools.lru_cache(maxsize=None)
def _make_gather(B, D):
    info = plsc.get_sparse_core_info()
    NC, NS = info.num_cores, info.num_subcores
    NW = NC * NS
    b_per_w = B // NW
    n_chunks = b_per_w // _CHUNK
    mesh = plsc.VectorSubcoreMesh(core_axis_name="c", subcore_axis_name="s")

    @functools.partial(
        pl.kernel,
        mesh=mesh,
        compiler_params=pltpu.CompilerParams(use_tc_tiling_on_sc=False),
        out_type=[
            jax.ShapeDtypeStruct((B, D), jnp.float32),
            jax.ShapeDtypeStruct((B, D), jnp.float32),
        ],
        scratch_types=[
            pltpu.VMEM((n_chunks, _CHUNK), jnp.int32),
            pltpu.VMEM((n_chunks, _CHUNK), jnp.int32),
            pltpu.VMEM((_CHUNK, D), jnp.float32),
            pltpu.VMEM((_CHUNK, D), jnp.float32),
            pltpu.SemaphoreType.DMA,
            pltpu.SemaphoreType.DMA,
        ],
    )
    def k(iw_hbm, ow_hbm, itab_hbm, otab_hbm, out_i, out_o,
          iw_v, ow_v, rows0, rows1, sem0, sem1):
        wid = lax.axis_index("s") * NC + lax.axis_index("c")
        pltpu.sync_copy(iw_hbm.at[pl.ds(wid * n_chunks, n_chunks)], iw_v)
        pltpu.sync_copy(ow_hbm.at[pl.ds(wid * n_chunks, n_chunks)], ow_v)

        tasks = ([(itab_hbm, iw_v, out_i, c) for c in range(n_chunks)]
                 + [(otab_hbm, ow_v, out_o, c) for c in range(n_chunks)])
        bufs = (rows0, rows1)
        sems = (sem0, sem1)
        copies = [None, None]

        def fire(t):
            tab, idx, _, c = tasks[t]
            copies[t % 2] = pltpu.async_copy(
                tab.at[idx.at[c]], bufs[t % 2], sems[t % 2])

        fire(0)
        if len(tasks) > 1:
            fire(1)
        for t in range(len(tasks)):
            copies[t % 2].wait()
            _, _, out, c = tasks[t]
            base = wid * b_per_w + c * _CHUNK
            pltpu.sync_copy(bufs[t % 2], out.at[pl.ds(base, _CHUNK)])
            if t + 2 < len(tasks):
                fire(t + 2)

    return k


def kernel(input_words, output_words, input_table, output_table):
    B = input_words.shape[0]
    D = input_table.shape[1]
    iw = input_words.astype(jnp.int32).reshape(B // _CHUNK, _CHUNK)
    ow = output_words.astype(jnp.int32).reshape(B // _CHUNK, _CHUNK)
    out_i, out_o = _make_gather(B, D)(iw, ow, input_table, output_table)
    return (out_i, out_o)

# --- scband reference (transcript-rebuilt; emitter-appended) ---
"""Pipeline reference for scband-skip-gram-ng-43593918054934 (READ-ONLY COPY).

The authoritative reference and input builder live on the scoring server;
editing this copy changes nothing except your own understanding.
"""

import jax, jax.numpy as jnp
import numpy as np

VOCAB = 1000000
EMBED = 64
BATCH = 16384

def setup_inputs(seed: int = 0) -> dict:
    key = jax.random.key(seed)
    k1, k2, k3, k4 = jax.random.split(key, 4)
    input_words = jax.random.randint(k1, (BATCH,), 0, VOCAB, dtype=jnp.int64) if jax.config.jax_enable_x64 else jax.random.randint(k1, (BATCH,), 0, VOCAB, dtype=jnp.int32)
    output_words = jax.random.randint(k2, (BATCH,), 0, VOCAB, dtype=jnp.int32)
    input_table = jax.random.normal(k3, (VOCAB, EMBED), dtype=jnp.float32) * 0.02
    output_table = jax.random.normal(k4, (VOCAB, EMBED), dtype=jnp.float32) * 0.02
    return {
        'input_words': input_words,
        'output_words': output_words,
        'input_table': input_table,
        'output_table': output_table,
    }

def reference(input_words, output_words, input_table, output_table):
    # SkipGramNg.forward_input: nn.Embedding lookup on input (center) words
    in_vectors = jnp.take(input_table, input_words, axis=0)
    # SkipGramNg.forward_output: nn.Embedding lookup on output (context) words
    out_vectors = jnp.take(output_table, output_words, axis=0)
    return (in_vectors, out_vectors)

if __name__ == "__main__":
    import jax
    _d = setup_inputs()
    print(jax.jit(kernel)(*tuple(_d.values())))

</pallas_src>

<mosaic_0001>
#map = affine_map<(d0, d1) -> (0, 0)>
module attributes {stable_mosaic.version = 14 : i64} {
  func.func @k(%arg0: i32, %arg1: i32, %arg2: memref<128x128xi32, #tpu.memory_space<hbm>>, %arg3: memref<128x128xi32, #tpu.memory_space<hbm>>, %arg4: memref<1000000x64xf32, #tpu.memory_space<hbm>>, %arg5: memref<1000000x64xf32, #tpu.memory_space<hbm>>, %arg6: memref<16384x64xf32, #tpu.memory_space<hbm>>, %arg7: memref<16384x64xf32, #tpu.memory_space<hbm>>, %arg8: memref<4x128xi32, #tpu.memory_space<vmem>>, %arg9: memref<4x128xi32, #tpu.memory_space<vmem>>, %arg10: memref<128x64xf32, #tpu.memory_space<vmem>>, %arg11: memref<128x64xf32, #tpu.memory_space<vmem>>, %arg12: memref<!tpu.dma_semaphore, #tpu.memory_space<semaphore_mem>>, %arg13: memref<!tpu.dma_semaphore, #tpu.memory_space<semaphore_mem>>) attributes {dimension_semantics = [#tpu.dimension_semantics<core_parallel>, #tpu.dimension_semantics<subcore_parallel>], iteration_bounds = array<i64: 2, 16>, scalar_prefetch = 0 : i64, scratch_operands = 6 : i64, tpu.core_type = #tpu.core_type<sc_vector_subcore>, window_params = [{transform_indices = #map}, {transform_indices = #map}, {transform_indices = #map}, {transform_indices = #map}, {transform_indices = #map}, {transform_indices = #map}]} {
    %mul3A = arith.constant 2 : i32
    %mul3A_0 = arith.muli %arg1, %mul3A : i32
    %add3A = arith.addi %mul3A_0, %arg0 : i32
    %mul3A_1 = arith.constant 4 : i32
    %mul3A_2 = arith.muli %add3A, %mul3A_1 : i32
    "tpu.region"() ({
      %run_scoped3A = tpu.sem_alloc : memref<!tpu.dma_semaphore, #tpu.memory_space<semaphore_mem>>
      %dma_start3A_147 = arith.constant 0 : i32
      %dma_start3A_148 = tpu.memref_slice %arg2[%mul3A_2, %dma_start3A_147] : memref<128x128xi32, #tpu.memory_space<hbm>> -> memref<4x128xi32, #tpu.memory_space<hbm>>
      %dma_start3A_149 = arith.constant 0 : i32
      %dma_start3A_150 = tpu.memref_slice %arg2[%mul3A_2, %dma_start3A_149] : memref<128x128xi32, #tpu.memory_space<hbm>> -> memref<4x128xi32, #tpu.memory_space<hbm>>
      tpu.enqueue_dma source(%dma_start3A_150 : memref<4x128xi32, #tpu.memory_space<hbm>>) target(%arg8 : memref<4x128xi32, #tpu.memory_space<vmem>>) target_semaphore(%run_scoped3A : memref<!tpu.dma_semaphore, #tpu.memory_space<semaphore_mem>>)
      %dma_wait3A_151 = arith.constant 0 : i32
      %dma_wait3A_152 = tpu.memref_slice %arg2[%mul3A_2, %dma_wait3A_151] : memref<128x128xi32, #tpu.memory_space<hbm>> -> memref<4x128xi32, #tpu.memory_space<hbm>>
      %dma_wait3A_153 = arith.constant 0 : i32
      %dma_wait3A_154 = tpu.memref_slice %arg2[%mul3A_2, %dma_wait3A_153] : memref<128x128xi32, #tpu.memory_space<hbm>> -> memref<4x128xi32, #tpu.memory_space<hbm>>
      tpu.wait_dma2 semaphore(%run_scoped3A : memref<!tpu.dma_semaphore, #tpu.memory_space<semaphore_mem>>) src(%dma_wait3A_154 : memref<4x128xi32, #tpu.memory_space<hbm>>) dst(%arg8 : memref<4x128xi32, #tpu.memory_space<vmem>>)
      tpu.yield
    }) : () -> ()
    %mul3A_3 = arith.constant 4 : i32
    %mul3A_4 = arith.muli %add3A, %mul3A_3 : i32
    "tpu.region"() ({
      %run_scoped3A = tpu.sem_alloc : memref<!tpu.dma_semaphore, #tpu.memory_space<semaphore_mem>>
      %dma_start3A_147 = arith.constant 0 : i32
      %dma_start3A_148 = tpu.memref_slice %arg3[%mul3A_4, %dma_start3A_147] : memref<128x128xi32, #tpu.memory_space<hbm>> -> memref<4x128xi32, #tpu.memory_space<hbm>>
      %dma_start3A_149 = arith.constant 0 : i32
      %dma_start3A_150 = tpu.memref_slice %arg3[%mul3A_4, %dma_start3A_149] : memref<128x128xi32, #tpu.memory_space<hbm>> -> memref<4x128xi32, #tpu.memory_space<hbm>>
      tpu.enqueue_dma source(%dma_start3A_150 : memref<4x128xi32, #tpu.memory_space<hbm>>) target(%arg9 : memref<4x128xi32, #tpu.memory_space<vmem>>) target_semaphore(%run_scoped3A : memref<!tpu.dma_semaphore, #tpu.memory_space<semaphore_mem>>)
      %dma_wait3A_151 = arith.constant 0 : i32
      %dma_wait3A_152 = tpu.memref_slice %arg3[%mul3A_4, %dma_wait3A_151] : memref<128x128xi32, #tpu.memory_space<hbm>> -> memref<4x128xi32, #tpu.memory_space<hbm>>
      %dma_wait3A_153 = arith.constant 0 : i32
      %dma_wait3A_154 = tpu.memref_slice %arg3[%mul3A_4, %dma_wait3A_153] : memref<128x128xi32, #tpu.memory_space<hbm>> -> memref<4x128xi32, #tpu.memory_space<hbm>>
      tpu.wait_dma2 semaphore(%run_scoped3A : memref<!tpu.dma_semaphore, #tpu.memory_space<semaphore_mem>>) src(%dma_wait3A_154 : memref<4x128xi32, #tpu.memory_space<hbm>>) dst(%arg9 : memref<4x128xi32, #tpu.memory_space<vmem>>)
      tpu.yield
    }) : () -> ()
    %dma_start3A = arith.constant 0 : i32
    %dma_start3A_5 = arith.constant 0 : i32
    %dma_start3A_6 = tpu.memref_slice %arg8[%dma_start3A, %dma_start3A_5] : memref<4x128xi32, #tpu.memory_space<vmem>> -> memref<1x128xi32, #tpu.memory_space<vmem>>
    %dma_start3A_7 = tpu.memref_squeeze %dma_start3A_6 : memref<1x128xi32, #tpu.memory_space<vmem>> -> memref<128xi32, #tpu.memory_space<vmem>>
    %dma_start3A_8 = arith.constant 0 : i32
    %dma_start3A_9 = arith.constant 0 : i32
    %dma_start3A_10 = tpu.memref_slice %arg4[%dma_start3A_8, %dma_start3A_9] : memref<1000000x64xf32, #tpu.memory_space<hbm>> -> memref<1000000x64xf32, #tpu.memory_space<hbm>>
    tpu.enqueue_indirect_dma source(%dma_start3A_10 : memref<1000000x64xf32, #tpu.memory_space<hbm>>) target(%arg10 : memref<128x64xf32, #tpu.memory_space<vmem>>) offsets(%dma_start3A_7 : memref<128xi32, #tpu.memory_space<vmem>>) semaphore(%arg12 : memref<!tpu.dma_semaphore, #tpu.memory_space<semaphore_mem>>)
    %dma_start3A_11 = arith.constant 1 : i32
    %dma_start3A_12 = arith.constant 0 : i32
    %dma_start3A_13 = tpu.memref_slice %arg8[%dma_start3A_11, %dma_start3A_12] : memref<4x128xi32, #tpu.memory_space<vmem>> -> memref<1x128xi32, #tpu.memory_space<vmem>>
    %dma_start3A_14 = tpu.memref_squeeze %dma_start3A_13 : memref<1x128xi32, #tpu.memory_space<vmem>> -> memref<128xi32, #tpu.memory_space<vmem>>
    %dma_start3A_15 = arith.constant 0 : i32
    %dma_start3A_16 = arith.constant 0 : i32
    %dma_start3A_17 = tpu.memref_slice %arg4[%dma_start3A_15, %dma_start3A_16] : memref<1000000x64xf32, #tpu.memory_space<hbm>> -> memref<1000000x64xf32, #tpu.memory_space<hbm>>
    tpu.enqueue_indirect_dma source(%dma_start3A_17 : memref<1000000x64xf32, #tpu.memory_space<hbm>>) target(%arg11 : memref<128x64xf32, #tpu.memory_space<vmem>>) offsets(%dma_start3A_14 : memref<128xi32, #tpu.memory_space<vmem>>) semaphore(%arg13 : memref<!tpu.dma_semaphore, #tpu.memory_space<semaphore_mem>>)
    %dma_wait3A = arith.constant 0 : i32
    %dma_wait3A_18 = arith.constant 0 : i32
    %dma_wait3A_19 = tpu.memref_slice %arg8[%dma_wait3A, %dma_wait3A_18] : memref<4x128xi32, #tpu.memory_space<vmem>> -> memref<1x128xi32, #tpu.memory_space<vmem>>
    %dma_wait3A_20 = tpu.memref_squeeze %dma_wait3A_19 : memref<1x128xi32, #tpu.memory_space<vmem>> -> memref<128xi32, #tpu.memory_space<vmem>>
    %dma_wait3A_21 = arith.constant 0 : i32
    %dma_wait3A_22 = arith.constant 0 : i32
    %dma_wait3A_23 = tpu.memref_slice %arg4[%dma_wait3A_21, %dma_wait3A_22] : memref<1000000x64xf32, #tpu.memory_space<hbm>> -> memref<1000000x64xf32, #tpu.memory_space<hbm>>
    tpu.wait_indirect_dma semaphore(%arg12 : memref<!tpu.dma_semaphore, #tpu.memory_space<semaphore_mem>>) src(%dma_wait3A_23 : memref<1000000x64xf32, #tpu.memory_space<hbm>>) dst(%arg10 : memref<128x64xf32, #tpu.memory_space<vmem>>)
    %mul3A_24 = arith.constant 512 : i32
    %mul3A_25 = arith.muli %add3A, %mul3A_24 : i32
    %add3A_26 = arith.constant 0 : i32
    %add3A_27 = arith.addi %mul3A_25, %add3A_26 : i32
    "tpu.region"() ({
      %run_scoped3A = tpu.sem_alloc : memref<!tpu.dma_semaphore, #tpu.memory_space<semaphore_mem>>
      %dma_start3A_147 = arith.constant 0 : i32
      %dma_start3A_148 = tpu.memref_slice %arg6[%add3A_27, %dma_start3A_147] : memref<16384x64xf32, #tpu.memory_space<hbm>> -> memref<128x64xf32, #tpu.memory_space<hbm>>
      %dma_start3A_149 = arith.constant 0 : i32
      %dma_start3A_150 = tpu.memref_slice %arg6[%add3A_27, %dma_start3A_149] : memref<16384x64xf32, #tpu.memory_space<hbm>> -> memref<128x64xf32, #tpu.memory_space<hbm>>
      tpu.enqueue_dma source(%arg10 : memref<128x64xf32, #tpu.memory_space<vmem>>) target(%dma_start3A_150 : memref<128x64xf32, #tpu.memory_space<hbm>>) target_semaphore(%run_scoped3A : memref<!tpu.dma_semaphore, #tpu.memory_space<semaphore_mem>>)
      %dma_wait3A_151 = arith.constant 0 : i32
      %dma_wait3A_152 = tpu.memref_slice %arg6[%add3A_27, %dma_wait3A_151] : memref<16384x64xf32, #tpu.memory_space<hbm>> -> memref<128x64xf32, #tpu.memory_space<hbm>>
      %dma_wait3A_153 = arith.constant 0 : i32
      %dma_wait3A_154 = tpu.memref_slice %arg6[%add3A_27, %dma_wait3A_153] : memref<16384x64xf32, #tpu.memory_space<hbm>> -> memref<128x64xf32, #tpu.memory_space<hbm>>
      tpu.wait_dma2 semaphore(%run_scoped3A : memref<!tpu.dma_semaphore, #tpu.memory_space<semaphore_mem>>) src(%arg10 : memref<128x64xf32, #tpu.memory_space<vmem>>) dst(%dma_wait3A_154 : memref<128x64xf32, #tpu.memory_space<hbm>>)
      tpu.yield
    }) : () -> ()
    %dma_start3A_28 = arith.constant 2 : i32
    %dma_start3A_29 = arith.constant 0 : i32
    %dma_start3A_30 = tpu.memref_slice %arg8[%dma_start3A_28, %dma_start3A_29] : memref<4x128xi32, #tpu.memory_space<vmem>> -> memref<1x128xi32, #tpu.memory_space<vmem>>
    %dma_start3A_31 = tpu.memref_squeeze %dma_start3A_30 : memref<1x128xi32, #tpu.memory_space<vmem>> -> memref<128xi32, #tpu.memory_space<vmem>>
    %dma_start3A_32 = arith.constant 0 : i32
    %dma_start3A_33 = arith.constant 0 : i32
    %dma_start3A_34 = tpu.memref_slice %arg4[%dma_start3A_32, %dma_start3A_33] : memref<1000000x64xf32, #tpu.memory_space<hbm>> -> memref<1000000x64xf32, #tpu.memory_space<hbm>>
    tpu.enqueue_indirect_dma source(%dma_start3A_34 : memref<1000000x64xf32, #tpu.memory_space<hbm>>) target(%arg10 : memref<128x64xf32, #tpu.memory_space<vmem>>) offsets(%dma_start3A_31 : memref<128xi32, #tpu.memory_space<vmem>>) semaphore(%arg12 : memref<!tpu.dma_semaphore, #tpu.memory_space<semaphore_mem>>)
    %dma_wait3A_35 = arith.constant 1 : i32
    %dma_wait3A_36 = arith.constant 0 : i32
    %dma_wait3A_37 = tpu.memref_slice %arg8[%dma_wait3A_35, %dma_wait3A_36] : memref<4x128xi32, #tpu.memory_space<vmem>> -> memref<1x128xi32, #tpu.memory_space<vmem>>
    %dma_wait3A_38 = tpu.memref_squeeze %dma_wait3A_37 : memref<1x128xi32, #tpu.memory_space<vmem>> -> memref<128xi32, #tpu.memory_space<vmem>>
    %dma_wait3A_39 = arith.constant 0 : i32
    %dma_wait3A_40 = arith.constant 0 : i32
    %dma_wait3A_41 = tpu.memref_slice %arg4[%dma_wait3A_39, %dma_wait3A_40] : memref<1000000x64xf32, #tpu.memory_space<hbm>> -> memref<1000000x64xf32, #tpu.memory_space<hbm>>
    tpu.wait_indirect_dma semaphore(%arg13 : memref<!tpu.dma_semaphore, #tpu.memory_space<semaphore_mem>>) src(%dma_wait3A_41 : memref<1000000x64xf32, #tpu.memory_space<hbm>>) dst(%arg11 : memref<128x64xf32, #tpu.memory_space<vmem>>)
    %mul3A_42 = arith.constant 512 : i32
    %mul3A_43 = arith.muli %add3A, %mul3A_42 : i32
    %add3A_44 = arith.constant 128 : i32
    %add3A_45 = arith.addi %mul3A_43, %add3A_44 : i32
    "tpu.region"() ({
      %run_scoped3A = tpu.sem_alloc : memref<!tpu.dma_semaphore, #tpu.memory_space<semaphore_mem>>
      %dma_start3A_147 = arith.constant 0 : i32
      %dma_start3A_148 = tpu.memref_slice %arg6[%add3A_45, %dma_start3A_147] : memref<16384x64xf32, #tpu.memory_space<hbm>> -> memref<128x64xf32, #tpu.memory_space<hbm>>
      %dma_start3A_149 = arith.constant 0 : i32
      %dma_start3A_150 = tpu.memref_slice %arg6[%add3A_45, %dma_start3A_149] : memref<16384x64xf32, #tpu.memory_space<hbm>> -> memref<128x64xf32, #tpu.memory_space<hbm>>
      tpu.enqueue_dma source(%arg11 : memref<128x64xf32, #tpu.memory_space<vmem>>) target(%dma_start3A_150 : memref<128x64xf32, #tpu.memory_space<hbm>>) target_semaphore(%run_scoped3A : memref<!tpu.dma_semaphore, #tpu.memory_space<semaphore_mem>>)
      %dma_wait3A_151 = arith.constant 0 : i32
      %dma_wait3A_152 = tpu.memref_slice %arg6[%add3A_45, %dma_wait3A_151] : memref<16384x64xf32, #tpu.memory_space<hbm>> -> memref<128x64xf32, #tpu.memory_space<hbm>>
      %dma_wait3A_153 = arith.constant 0 : i32
      %dma_wait3A_154 = tpu.memref_slice %arg6[%add3A_45, %dma_wait3A_153] : memref<16384x64xf32, #tpu.memory_space<hbm>> -> memref<128x64xf32, #tpu.memory_space<hbm>>
      tpu.wait_dma2 semaphore(%run_scoped3A : memref<!tpu.dma_semaphore, #tpu.memory_space<semaphore_mem>>) src(%arg11 : memref<128x64xf32, #tpu.memory_space<vmem>>) dst(%dma_wait3A_154 : memref<128x64xf32, #tpu.memory_space<hbm>>)
      tpu.yield
    }) : () -> ()
    %dma_start3A_46 = arith.constant 3 : i32
    %dma_start3A_47 = arith.constant 0 : i32
    %dma_start3A_48 = tpu.memref_slice %arg8[%dma_start3A_46, %dma_start3A_47] : memref<4x128xi32, #tpu.memory_space<vmem>> -> memref<1x128xi32, #tpu.memory_space<vmem>>
    %dma_start3A_49 = tpu.memref_squeeze %dma_start3A_48 : memref<1x128xi32, #tpu.memory_space<vmem>> -> memref<128xi32, #tpu.memory_space<vmem>>
    %dma_start3A_50 = arith.constant 0 : i32
    %dma_start3A_51 = arith.constant 0 : i32
    %dma_start3A_52 = tpu.memref_slice %arg4[%dma_start3A_50, %dma_start3A_51] : memref<1000000x64xf32, #tpu.memory_space<hbm>> -> memref<1000000x64xf32, #tpu.memory_space<hbm>>
    tpu.enqueue_indirect_dma source(%dma_start3A_52 : memref<1000000x64xf32, #tpu.memory_space<hbm>>) target(%arg11 : memref<128x64xf32, #tpu.memory_space<vmem>>) offsets(%dma_start3A_49 : memref<128xi32, #tpu.memory_space<vmem>>) semaphore(%arg13 : memref<!tpu.dma_semaphore, #tpu.memory_space<semaphore_mem>>)
    %dma_wait3A_53 = arith.constant 2 : i32
    %dma_wait3A_54 = arith.constant 0 : i32
    %dma_wait3A_55 = tpu.memref_slice %arg8[%dma_wait3A_53, %dma_wait3A_54] : memref<4x128xi32, #tpu.memory_space<vmem>> -> memref<1x128xi32, #tpu.memory_space<vmem>>
    %dma_wait3A_56 = tpu.memref_squeeze %dma_wait3A_55 : memref<1x128xi32, #tpu.memory_space<vmem>> -> memref<128xi32, #tpu.memory_space<vmem>>
    %dma_wait3A_57 = arith.constant 0 : i32
    %dma_wait3A_58 = arith.constant 0 : i32
    %dma_wait3A_59 = tpu.memref_slice %arg4[%dma_wait3A_57, %dma_wait3A_58] : memref<1000000x64xf32, #tpu.memory_space<hbm>> -> memref<1000000x64xf32, #tpu.memory_space<hbm>>
    tpu.wait_indirect_dma semaphore(%arg12 : memref<!tpu.dma_semaphore, #tpu.memory_space<semaphore_mem>>) src(%dma_wait3A_59 : memref<1000000x64xf32, #tpu.memory_space<hbm>>) dst(%arg10 : memref<128x64xf32, #tpu.memory_space<vmem>>)
    %mul3A_60 = arith.constant 512 : i32
    %mul3A_61 = arith.muli %add3A, %mul3A_60 : i32
    %add3A_62 = arith.constant 256 : i32
    %add3A_63 = arith.addi %mul3A_61, %add3A_62 : i32
    "tpu.region"() ({
      %run_scoped3A = tpu.sem_alloc : memref<!tpu.dma_semaphore, #tpu.memory_space<semaphore_mem>>
      %dma_start3A_147 = arith.constant 0 : i32
      %dma_start3A_148 = tpu.memref_slice %arg6[%add3A_63, %dma_start3A_147] : memref<16384x64xf32, #tpu.memory_space<hbm>> -> memref<128x64xf32, #tpu.memory_space<hbm>>
      %dma_start3A_149 = arith.constant 0 : i32
      %dma_start3A_150 = tpu.memref_slice %arg6[%add3A_63, %dma_start3A_149] : memref<16384x64xf32, #tpu.memory_space<hbm>> -> memref<128x64xf32, #tpu.memory_space<hbm>>
      tpu.enqueue_dma source(%arg10 : memref<128x64xf32, #tpu.memory_space<vmem>>) target(%dma_start3A_150 : memref<128x64xf32, #tpu.memory_space<hbm>>) target_semaphore(%run_scoped3A : memref<!tpu.dma_semaphore, #tpu.memory_space<semaphore_mem>>)
      %dma_wait3A_151 = arith.constant 0 : i32
      %dma_wait3A_152 = tpu.memref_slice %arg6[%add3A_63, %dma_wait3A_151] : memref<16384x64xf32, #tpu.memory_space<hbm>> -> memref<128x64xf32, #tpu.memory_space<hbm>>
      %dma_wait3A_153 = arith.constant 0 : i32
      %dma_wait3A_154 = tpu.memref_slice %arg6[%add3A_63, %dma_wait3A_153] : memref<16384x64xf32, #tpu.memory_space<hbm>> -> memref<128x64xf32, #tpu.memory_space<hbm>>
      tpu.wait_dma2 semaphore(%run_scoped3A : memref<!tpu.dma_semaphore, #tpu.memory_space<semaphore_mem>>) src(%arg10 : memref<128x64xf32, #tpu.memory_space<vmem>>) dst(%dma_wait3A_154 : memref<128x64xf32, #tpu.memory_space<hbm>>)
      tpu.yield
    }) : () -> ()
    %dma_start3A_64 = arith.constant 0 : i32
    %dma_start3A_65 = arith.constant 0 : i32
    %dma_start3A_66 = tpu.memref_slice %arg9[%dma_start3A_64, %dma_start3A_65] : memref<4x128xi32, #tpu.memory_space<vmem>> -> memref<1x128xi32, #tpu.memory_space<vmem>>
    %dma_start3A_67 = tpu.memref_squeeze %dma_start3A_66 : memref<1x128xi32, #tpu.memory_space<vmem>> -> memref<128xi32, #tpu.memory_space<vmem>>
    %dma_start3A_68 = arith.constant 0 : i32
    %dma_start3A_69 = arith.constant 0 : i32
    %dma_start3A_70 = tpu.memref_slice %arg5[%dma_start3A_68, %dma_start3A_69] : memref<1000000x64xf32, #tpu.memory_space<hbm>> -> memref<1000000x64xf32, #tpu.memory_space<hbm>>
    tpu.enqueue_indirect_dma source(%dma_start3A_70 : memref<1000000x64xf32, #tpu.memory_space<hbm>>) target(%arg10 : memref<128x64xf32, #tpu.memory_space<vmem>>) offsets(%dma_start3A_67 : memref<128xi32, #tpu.memory_space<vmem>>) semaphore(%arg12 : memref<!tpu.dma_semaphore, #tpu.memory_space<semaphore_mem>>)
    %dma_wait3A_71 = arith.constant 3 : i32
    %dma_wait3A_72 = arith.constant 0 : i32
    %dma_wait3A_73 = tpu.memref_slice %arg8[%dma_wait3A_71, %dma_wait3A_72] : memref<4x128xi32, #tpu.memory_space<vmem>> -> memref<1x128xi32, #tpu.memory_space<vmem>>
    %dma_wait3A_74 = tpu.memref_squeeze %dma_wait3A_73 : memref<1x128xi32, #tpu.memory_space<vmem>> -> memref<128xi32, #tpu.memory_space<vmem>>
    %dma_wait3A_75 = arith.constant 0 : i32
    %dma_wait3A_76 = arith.constant 0 : i32
    %dma_wait3A_77 = tpu.memref_slice %arg4[%dma_wait3A_75, %dma_wait3A_76] : memref<1000000x64xf32, #tpu.memory_space<hbm>> -> memref<1000000x64xf32, #tpu.memory_space<hbm>>
    tpu.wait_indirect_dma semaphore(%arg13 : memref<!tpu.dma_semaphore, #tpu.memory_space<semaphore_mem>>) src(%dma_wait3A_77 : memref<1000000x64xf32, #tpu.memory_space<hbm>>) dst(%arg11 : memref<128x64xf32, #tpu.memory_space<vmem>>)
    %mul3A_78 = arith.constant 512 : i32
    %mul3A_79 = arith.muli %add3A, %mul3A_78 : i32
    %add3A_80 = arith.constant 384 : i32
    %add3A_81 = arith.addi %mul3A_79, %add3A_80 : i32
    "tpu.region"() ({
      %run_scoped3A = tpu.sem_alloc : memref<!tpu.dma_semaphore, #tpu.memory_space<semaphore_mem>>
      %dma_start3A_147 = arith.constant 0 : i32
      %dma_start3A_148 = tpu.memref_slice %arg6[%add3A_81, %dma_start3A_147] : memref<16384x64xf32, #tpu.memory_space<hbm>> -> memref<128x64xf32, #tpu.memory_space<hbm>>
      %dma_start3A_149 = arith.constant 0 : i32
      %dma_start3A_150 = tpu.memref_slice %arg6[%add3A_81, %dma_start3A_149] : memref<16384x64xf32, #tpu.memory_space<hbm>> -> memref<128x64xf32, #tpu.memory_space<hbm>>
      tpu.enqueue_dma source(%arg11 : memref<128x64xf32, #tpu.memory_space<vmem>>) target(%dma_start3A_150 : memref<128x64xf32, #tpu.memory_space<hbm>>) target_semaphore(%run_scoped3A : memref<!tpu.dma_semaphore, #tpu.memory_space<semaphore_mem>>)
      %dma_wait3A_151 = arith.constant 0 : i32
      %dma_wait3A_152 = tpu.memref_slice %arg6[%add3A_81, %dma_wait3A_151] : memref<16384x64xf32, #tpu.memory_space<hbm>> -> memref<128x64xf32, #tpu.memory_space<hbm>>
      %dma_wait3A_153 = arith.constant 0 : i32
      %dma_wait3A_154 = tpu.memref_slice %arg6[%add3A_81, %dma_wait3A_153] : memref<16384x64xf32, #tpu.memory_space<hbm>> -> memref<128x64xf32, #tpu.memory_space<hbm>>
      tpu.wait_dma2 semaphore(%run_scoped3A : memref<!tpu.dma_semaphore, #tpu.memory_space<semaphore_mem>>) src(%arg11 : memref<128x64xf32, #tpu.memory_space<vmem>>) dst(%dma_wait3A_154 : memref<128x64xf32, #tpu.memory_space<hbm>>)
      tpu.yield
    }) : () -> ()
    %dma_start3A_82 = arith.constant 1 : i32
    %dma_start3A_83 = arith.constant 0 : i32
    %dma_start3A_84 = tpu.memref_slice %arg9[%dma_start3A_82, %dma_start3A_83] : memref<4x128xi32, #tpu.memory_space<vmem>> -> memref<1x128xi32, #tpu.memory_space<vmem>>
    %dma_start3A_85 = tpu.memref_squeeze %dma_start3A_84 : memref<1x128xi32, #tpu.memory_space<vmem>> -> memref<128xi32, #tpu.memory_space<vmem>>
    %dma_start3A_86 = arith.constant 0 : i32
    %dma_start3A_87 = arith.constant 0 : i32
    %dma_start3A_88 = tpu.memref_slice %arg5[%dma_start3A_86, %dma_start3A_87] : memref<1000000x64xf32, #tpu.memory_space<hbm>> -> memref<1000000x64xf32, #tpu.memory_space<hbm>>
    tpu.enqueue_indirect_dma source(%dma_start3A_88 : memref<1000000x64xf32, #tpu.memory_space<hbm>>) target(%arg11 : memref<128x64xf32, #tpu.memory_space<vmem>>) offsets(%dma_start3A_85 : memref<128xi32, #tpu.memory_space<vmem>>) semaphore(%arg13 : memref<!tpu.dma_semaphore, #tpu.memory_space<semaphore_mem>>)
    %dma_wait3A_89 = arith.constant 0 : i32
    %dma_wait3A_90 = arith.constant 0 : i32
    %dma_wait3A_91 = tpu.memref_slice %arg9[%dma_wait3A_89, %dma_wait3A_90] : memref<4x128xi32, #tpu.memory_space<vmem>> -> memref<1x128xi32, #tpu.memory_space<vmem>>
    %dma_wait3A_92 = tpu.memref_squeeze %dma_wait3A_91 : memref<1x128xi32, #tpu.memory_space<vmem>> -> memref<128xi32, #tpu.memory_space<vmem>>
    %dma_wait3A_93 = arith.constant 0 : i32
    %dma_wait3A_94 = arith.constant 0 : i32
    %dma_wait3A_95 = tpu.memref_slice %arg5[%dma_wait3A_93, %dma_wait3A_94] : memref<1000000x64xf32, #tpu.memory_space<hbm>> -> memref<1000000x64xf32, #tpu.memory_space<hbm>>
    tpu.wait_indirect_dma semaphore(%arg12 : memref<!tpu.dma_semaphore, #tpu.memory_space<semaphore_mem>>) src(%dma_wait3A_95 : memref<1000000x64xf32, #tpu.memory_space<hbm>>) dst(%arg10 : memref<128x64xf32, #tpu.memory_space<vmem>>)
    %mul3A_96 = arith.constant 512 : i32
    %mul3A_97 = arith.muli %add3A, %mul3A_96 : i32
    %add3A_98 = arith.constant 0 : i32
    %add3A_99 = arith.addi %mul3A_97, %add3A_98 : i32
    "tpu.region"() ({
      %run_scoped3A = tpu.sem_alloc : memref<!tpu.dma_semaphore, #tpu.memory_space<semaphore_mem>>
      %dma_start3A_147 = arith.constant 0 : i32
      %dma_start3A_148 = tpu.memref_slice %arg7[%add3A_99, %dma_start3A_147] : memref<16384x64xf32, #tpu.memory_space<hbm>> -> memref<128x64xf32, #tpu.memory_space<hbm>>
      %dma_start3A_149 = arith.constant 0 : i32
      %dma_start3A_150 = tpu.memref_slice %arg7[%add3A_99, %dma_start3A_149] : memref<16384x64xf32, #tpu.memory_space<hbm>> -> memref<128x64xf32, #tpu.memory_space<hbm>>
      tpu.enqueue_dma source(%arg10 : memref<128x64xf32, #tpu.memory_space<vmem>>) target(%dma_start3A_150 : memref<128x64xf32, #tpu.memory_space<hbm>>) target_semaphore(%run_scoped3A : memref<!tpu.dma_semaphore, #tpu.memory_space<semaphore_mem>>)
      %dma_wait3A_151 = arith.constant 0 : i32
      %dma_wait3A_152 = tpu.memref_slice %arg7[%add3A_99, %dma_wait3A_151] : memref<16384x64xf32, #tpu.memory_space<hbm>> -> memref<128x64xf32, #tpu.memory_space<hbm>>
      %dma_wait3A_153 = arith.constant 0 : i32
      %dma_wait3A_154 = tpu.memref_slice %arg7[%add3A_99, %dma_wait3A_153] : memref<16384x64xf32, #tpu.memory_space<hbm>> -> memref<128x64xf32, #tpu.memory_space<hbm>>
      tpu.wait_dma2 semaphore(%run_scoped3A : memref<!tpu.dma_semaphore, #tpu.memory_space<semaphore_mem>>) src(%arg10 : memref<128x64xf32, #tpu.memory_space<vmem>>) dst(%dma_wait3A_154 : memref<128x64xf32, #tpu.memory_space<hbm>>)
      tpu.yield
    }) : () -> ()
    %dma_start3A_100 = arith.constant 2 : i32
    %dma_start3A_101 = arith.constant 0 : i32
    %dma_start3A_102 = tpu.memref_slice %arg9[%dma_start3A_100, %dma_start3A_101] : memref<4x128xi32, #tpu.memory_space<vmem>> -> memref<1x128xi32, #tpu.memory_space<vmem>>
    %dma_start3A_103 = tpu.memref_squeeze %dma_start3A_102 : memref<1x128xi32, #tpu.memory_space<vmem>> -> memref<128xi32, #tpu.memory_space<vmem>>
    %dma_start3A_104 = arith.constant 0 : i32
    %dma_start3A_105 = arith.constant 0 : i32
    %dma_start3A_106 = tpu.memref_slice %arg5[%dma_start3A_104, %dma_start3A_105] : memref<1000000x64xf32, #tpu.memory_space<hbm>> -> memref<1000000x64xf32, #tpu.memory_space<hbm>>
    tpu.enqueue_indirect_dma source(%dma_start3A_106 : memref<1000000x64xf32, #tpu.memory_space<hbm>>) target(%arg10 : memref<128x64xf32, #tpu.memory_space<vmem>>) offsets(%dma_start3A_103 : memref<128xi32, #tpu.memory_space<vmem>>) semaphore(%arg12 : memref<!tpu.dma_semaphore, #tpu.memory_space<semaphore_mem>>)
    %dma_wait3A_107 = arith.constant 1 : i32
    %dma_wait3A_108 = arith.constant 0 : i32
    %dma_wait3A_109 = tpu.memref_slice %arg9[%dma_wait3A_107, %dma_wait3A_108] : memref<4x128xi32, #tpu.memory_space<vmem>> -> memref<1x128xi32, #tpu.memory_space<vmem>>
    %dma_wait3A_110 = tpu.memref_squeeze %dma_wait3A_109 : memref<1x128xi32, #tpu.memory_space<vmem>> -> memref<128xi32, #tpu.memory_space<vmem>>
    %dma_wait3A_111 = arith.constant 0 : i32
    %dma_wait3A_112 = arith.constant 0 : i32
    %dma_wait3A_113 = tpu.memref_slice %arg5[%dma_wait3A_111, %dma_wait3A_112] : memref<1000000x64xf32, #tpu.memory_space<hbm>> -> memref<1000000x64xf32, #tpu.memory_space<hbm>>
    tpu.wait_indirect_dma semaphore(%arg13 : memref<!tpu.dma_semaphore, #tpu.memory_space<semaphore_mem>>) src(%dma_wait3A_113 : memref<1000000x64xf32, #tpu.memory_space<hbm>>) dst(%arg11 : memref<128x64xf32, #tpu.memory_space<vmem>>)
    %mul3A_114 = arith.constant 512 : i32
    %mul3A_115 = arith.muli %add3A, %mul3A_114 : i32
    %add3A_116 = arith.constant 128 : i32
    %add3A_117 = arith.addi %mul3A_115, %add3A_116 : i32
    "tpu.region"() ({
      %run_scoped3A = tpu.sem_alloc : memref<!tpu.dma_semaphore, #tpu.memory_space<semaphore_mem>>
      %dma_start3A_147 = arith.constant 0 : i32
      %dma_start3A_148 = tpu.memref_slice %arg7[%add3A_117, %dma_start3A_147] : memref<16384x64xf32, #tpu.memory_space<hbm>> -> memref<128x64xf32, #tpu.memory_space<hbm>>
      %dma_start3A_149 = arith.constant 0 : i32
      %dma_start3A_150 = tpu.memref_slice %arg7[%add3A_117, %dma_start3A_149] : memref<16384x64xf32, #tpu.memory_space<hbm>> -> memref<128x64xf32, #tpu.memory_space<hbm>>
      tpu.enqueue_dma source(%arg11 : memref<128x64xf32, #tpu.memory_space<vmem>>) target(%dma_start3A_150 : memref<128x64xf32, #tpu.memory_space<hbm>>) target_semaphore(%run_scoped3A : memref<!tpu.dma_semaphore, #tpu.memory_space<semaphore_mem>>)
      %dma_wait3A_151 = arith.constant 0 : i32
      %dma_wait3A_152 = tpu.memref_slice %arg7[%add3A_117, %dma_wait3A_151] : memref<16384x64xf32, #tpu.memory_space<hbm>> -> memref<128x64xf32, #tpu.memory_space<hbm>>
      %dma_wait3A_153 = arith.constant 0 : i32
      %dma_wait3A_154 = tpu.memref_slice %arg7[%add3A_117, %dma_wait3A_153] : memref<16384x64xf32, #tpu.memory_space<hbm>> -> memref<128x64xf32, #tpu.memory_space<hbm>>
      tpu.wait_dma2 semaphore(%run_scoped3A : memref<!tpu.dma_semaphore, #tpu.memory_space<semaphore_mem>>) src(%arg11 : memref<128x64xf32, #tpu.memory_space<vmem>>) dst(%dma_wait3A_154 : memref<128x64xf32, #tpu.memory_space<hbm>>)
      tpu.yield
    }) : () -> ()
    %dma_start3A_118 = arith.constant 3 : i32
    %dma_start3A_119 = arith.constant 0 : i32
    %dma_start3A_120 = tpu.memref_slice %arg9[%dma_start3A_118, %dma_start3A_119] : memref<4x128xi32, #tpu.memory_space<vmem>> -> memref<1x128xi32, #tpu.memory_space<vmem>>
    %dma_start3A_121 = tpu.memref_squeeze %dma_start3A_120 : memref<1x128xi32, #tpu.memory_space<vmem>> -> memref<128xi32, #tpu.memory_space<vmem>>
    %dma_start3A_122 = arith.constant 0 : i32
    %dma_start3A_123 = arith.constant 0 : i32
    %dma_start3A_124 = tpu.memref_slice %arg5[%dma_start3A_122, %dma_start3A_123] : memref<1000000x64xf32, #tpu.memory_space<hbm>> -> memref<1000000x64xf32, #tpu.memory_space<hbm>>
    tpu.enqueue_indirect_dma source(%dma_start3A_124 : memref<1000000x64xf32, #tpu.memory_space<hbm>>) target(%arg11 : memref<128x64xf32, #tpu.memory_space<vmem>>) offsets(%dma_start3A_121 : memref<128xi32, #tpu.memory_space<vmem>>) semaphore(%arg13 : memref<!tpu.dma_semaphore, #tpu.memory_space<semaphore_mem>>)
    %dma_wait3A_125 = arith.constant 2 : i32
    %dma_wait3A_126 = arith.constant 0 : i32
    %dma_wait3A_127 = tpu.memref_slice %arg9[%dma_wait3A_125, %dma_wait3A_126] : memref<4x128xi32, #tpu.memory_space<vmem>> -> memref<1x128xi32, #tpu.memory_space<vmem>>
    %dma_wait3A_128 = tpu.memref_squeeze %dma_wait3A_127 : memref<1x128xi32, #tpu.memory_space<vmem>> -> memref<128xi32, #tpu.memory_space<vmem>>
    %dma_wait3A_129 = arith.constant 0 : i32
    %dma_wait3A_130 = arith.constant 0 : i32
    %dma_wait3A_131 = tpu.memref_slice %arg5[%dma_wait3A_129, %dma_wait3A_130] : memref<1000000x64xf32, #tpu.memory_space<hbm>> -> memref<1000000x64xf32, #tpu.memory_space<hbm>>
    tpu.wait_indirect_dma semaphore(%arg12 : memref<!tpu.dma_semaphore, #tpu.memory_space<semaphore_mem>>) src(%dma_wait3A_131 : memref<1000000x64xf32, #tpu.memory_space<hbm>>) dst(%arg10 : memref<128x64xf32, #tpu.memory_space<vmem>>)
    %mul3A_132 = arith.constant 512 : i32
    %mul3A_133 = arith.muli %add3A, %mul3A_132 : i32
    %add3A_134 = arith.constant 256 : i32
    %add3A_135 = arith.addi %mul3A_133, %add3A_134 : i32
    "tpu.region"() ({
      %run_scoped3A = tpu.sem_alloc : memref<!tpu.dma_semaphore, #tpu.memory_space<semaphore_mem>>
      %dma_start3A_147 = arith.constant 0 : i32
      %dma_start3A_148 = tpu.memref_slice %arg7[%add3A_135, %dma_start3A_147] : memref<16384x64xf32, #tpu.memory_space<hbm>> -> memref<128x64xf32, #tpu.memory_space<hbm>>
      %dma_start3A_149 = arith.constant 0 : i32
      %dma_start3A_150 = tpu.memref_slice %arg7[%add3A_135, %dma_start3A_149] : memref<16384x64xf32, #tpu.memory_space<hbm>> -> memref<128x64xf32, #tpu.memory_space<hbm>>
      tpu.enqueue_dma source(%arg10 : memref<128x64xf32, #tpu.memory_space<vmem>>) target(%dma_start3A_150 : memref<128x64xf32, #tpu.memory_space<hbm>>) target_semaphore(%run_scoped3A : memref<!tpu.dma_semaphore, #tpu.memory_space<semaphore_mem>>)
      %dma_wait3A_151 = arith.constant 0 : i32
      %dma_wait3A_152 = tpu.memref_slice %arg7[%add3A_135, %dma_wait3A_151] : memref<16384x64xf32, #tpu.memory_space<hbm>> -> memref<128x64xf32, #tpu.memory_space<hbm>>
      %dma_wait3A_153 = arith.constant 0 : i32
      %dma_wait3A_154 = tpu.memref_slice %arg7[%add3A_135, %dma_wait3A_153] : memref<16384x64xf32, #tpu.memory_space<hbm>> -> memref<128x64xf32, #tpu.memory_space<hbm>>
      tpu.wait_dma2 semaphore(%run_scoped3A : memref<!tpu.dma_semaphore, #tpu.memory_space<semaphore_mem>>) src(%arg10 : memref<128x64xf32, #tpu.memory_space<vmem>>) dst(%dma_wait3A_154 : memref<128x64xf32, #tpu.memory_space<hbm>>)
      tpu.yield
    }) : () -> ()
    %dma_wait3A_136 = arith.constant 3 : i32
    %dma_wait3A_137 = arith.constant 0 : i32
    %dma_wait3A_138 = tpu.memref_slice %arg9[%dma_wait3A_136, %dma_wait3A_137] : memref<4x128xi32, #tpu.memory_space<vmem>> -> memref<1x128xi32, #tpu.memory_space<vmem>>
    %dma_wait3A_139 = tpu.memref_squeeze %dma_wait3A_138 : memref<1x128xi32, #tpu.memory_space<vmem>> -> memref<128xi32, #tpu.memory_space<vmem>>
    %dma_wait3A_140 = arith.constant 0 : i32
    %dma_wait3A_141 = arith.constant 0 : i32
    %dma_wait3A_142 = tpu.memref_slice %arg5[%dma_wait3A_140, %dma_wait3A_141] : memref<1000000x64xf32, #tpu.memory_space<hbm>> -> memref<1000000x64xf32, #tpu.memory_space<hbm>>
    tpu.wait_indirect_dma semaphore(%arg13 : memref<!tpu.dma_semaphore, #tpu.memory_space<semaphore_mem>>) src(%dma_wait3A_142 : memref<1000000x64xf32, #tpu.memory_space<hbm>>) dst(%arg11 : memref<128x64xf32, #tpu.memory_space<vmem>>)
    %mul3A_143 = arith.constant 512 : i32
    %mul3A_144 = arith.muli %add3A, %mul3A_143 : i32
    %add3A_145 = arith.constant 384 : i32
    %add3A_146 = arith.addi %mul3A_144, %add3A_145 : i32
    "tpu.region"() ({
      %run_scoped3A = tpu.sem_alloc : memref<!tpu.dma_semaphore, #tpu.memory_space<semaphore_mem>>
      %dma_start3A_147 = arith.constant 0 : i32
      %dma_start3A_148 = tpu.memref_slice %arg7[%add3A_146, %dma_start3A_147] : memref<16384x64xf32, #tpu.memory_space<hbm>> -> memref<128x64xf32, #tpu.memory_space<hbm>>
      %dma_start3A_149 = arith.constant 0 : i32
      %dma_start3A_150 = tpu.memref_slice %arg7[%add3A_146, %dma_start3A_149] : memref<16384x64xf32, #tpu.memory_space<hbm>> -> memref<128x64xf32, #tpu.memory_space<hbm>>
      tpu.enqueue_dma source(%arg11 : memref<128x64xf32, #tpu.memory_space<vmem>>) target(%dma_start3A_150 : memref<128x64xf32, #tpu.memory_space<hbm>>) target_semaphore(%run_scoped3A : memref<!tpu.dma_semaphore, #tpu.memory_space<semaphore_mem>>)
      %dma_wait3A_151 = arith.constant 0 : i32
      %dma_wait3A_152 = tpu.memref_slice %arg7[%add3A_146, %dma_wait3A_151] : memref<16384x64xf32, #tpu.memory_space<hbm>> -> memref<128x64xf32, #tpu.memory_space<hbm>>
      %dma_wait3A_153 = arith.constant 0 : i32
      %dma_wait3A_154 = tpu.memref_slice %arg7[%add3A_146, %dma_wait3A_153] : memref<16384x64xf32, #tpu.memory_space<hbm>> -> memref<128x64xf32, #tpu.memory_space<hbm>>
      tpu.wait_dma2 semaphore(%run_scoped3A : memref<!tpu.dma_semaphore, #tpu.memory_space<semaphore_mem>>) src(%arg11 : memref<128x64xf32, #tpu.memory_space<vmem>>) dst(%dma_wait3A_154 : memref<128x64xf32, #tpu.memory_space<hbm>>)
      tpu.yield
    }) : () -> ()
    return
  }
}

</mosaic_0001>

<sc_bundles>
// kernel: kernel.3.cloned.1.call-start
scs
__scs_entry_jumppad:
0x0: {  	(pc) =	sbr.rel $0x88, $3  }
0x1: {  	(tag) =	ssettag $0x0;
	lr =	simm.s32 $0x1  }
0x2: {  	[smem:$0x3F9D] =	sst lr;
	_ =	strace $0xD0000000  }
0x3: {  	_ = 	snop  }
0x4: {  	_ = 	snop  }
0x5: {  	_ = 	snop  }
0x6: {  	_ = 	snop  }
0x7: {  	_ = 	snop  }
__scs_overlays_trampoline_lowered:
0x8: {  	[smem:$0x3FAC] =	sst s0  }
0x9: {  	[smem:$0x3FAD] =	sst s1  }
0xa: {  	[smem:$0x3FAE] =	sst s2  }
0xb: {  	[smem:$0x3FAF] =	sst s3  }
0xc: {  	[smem:$0x3FB0] =	sst s4  }
0xd: {  	[smem:$0x3FB1] =	sst s5  }
0xe: {  	[smem:$0x3FB2] =	sst s6  }
0xf: {  	[smem:$0x3FB3] =	sst s7  }
0x10: {  	[smem:$0x3FB4] =	sst s8  }
0x11: {  	[smem:$0x3FB5] =	sst s9;
	s0 =	simm.s32 @!p0 $0x0  }
0x12: {  	s1 =	sld [smem:$0x3F9B];
	s0 =	simm.s32 @p0 $0x1  }
0x13: {  	[smem:$0x3FB6] =	sst s0;
	s0 =	simm.s32 @!p1 $0x0  }
0x14: {  	s2 =	sld [smem:$0x3F9A];
	s0 =	simm.s32 @p1 $0x1  }
0x15: {  	[smem:$0x3FB7] =	sst s0;
	s0 =	simm.s32 @!p2 $0x0  }
0x16: {  	s3 =	sld [smem:$0x3FDB];
	s0 =	simm.s32 @p2 $0x1  }
0x17: {  	s4 =	simm.s32 $0x1BF5;
	[smem:$0x3FB9] =	sst s0  }
0x18: {  	s0 =	sld [smem:$0x3F9C];
	_ =	swait.ge [sflag:s4], $0x0  }
0x19: {  	s7 =	sld [smem:$0x3F9D]  }
0x1a: {  	s8 =	sadd.s32 $0xFFFFE003, lr  }
0x1b: {  	s9 =	sadd.s32 $0xFFFFFEF7, lr;
	s5 =	simm.s32 $0xFFFFFFFF;
	p2 =	slt.u32 s8, $0xFFFFF086  }
0x1c: {  	p1 =	slt.u32 s9, $0xF7A;
	s5 =	simm.s32 @!p2 $0x0  }
0x1d: {  	s5 =	simm.s32 @p1 $0x1;
	p0 =	seq.s32 s7, s2  }
0x1e: {  	s7 =	smul.u32 @!p0 $0xF7A, s2;
	p2 =	seq.s32 @!p0 s5, $0x0  }
0x1f: {  	s9 =	smul.u32 $0xF7A, s1;
	s8 =	simm.s32 @!p0 $0x1BF5;
	p2 =	por !p2, p0  }
0x20: {  	[sflag:s8] =	ssyncset.s32 @!p0 $0xFFFFF086;
	s6 =	sadd.s32 @!p0 s3, s7;
	s7 =	simm.s32 @!p0 $0x108  }
0x21: {  	s3 =	sadd.s32 s3, s9;
	s6 =	sadd.s32 @!p0 $0x88, s6;
	s7 =	simm.s32 @p2 $0x1082  }
0x22: {  	[simem:s7], [sflag:s8] =	dma.local @!p0 [hbm:s6], $0xF7A  }
0x23: {  	s9 =	sor.u32 $0xD0000000, s2;
	s6 =	simm.s32 $0x108;
	_ =	swait.ge @!p0 [sflag:s8], $0x0  }
0x24: {  	s3 =	sadd.s32 $0x88, s3;
	s6 =	simm.s32 @!p1 $0x1082;
	[sflag:s4] =	ssyncset.s32 $0xFFFFF086  }
0x25: {  	[simem:s6], [sflag:s4] =	dma.local [hbm:s3], $0xF7A  }
0x26: {  	[smem:$0x3F9D] =	sst s1;
	(tag) =	ssettag s2;
	_ =	strace s9  }
0x27: {  	s1 =	sld [smem:$0x3FAD]  }
0x28: {  	s2 =	sld [smem:$0x3FAE]  }
0x29: {  	s4 =	sld [smem:$0x3FB0]  }
0x2a: {  	p0 =	seq.s32 s5, $0x0;
	s5 =	sld [smem:$0x3FB1]  }
0x2b: {  	s6 =	sld [smem:$0x3FB2]  }
0x2c: {  	s7 =	sld [smem:$0x3FB3]  }
0x2d: {  	s3 =	simm.s32 $0x108;
	s8 =	sld [smem:$0x3FB4]  }
0x2e: {  	s3 =	simm.s32 @!p0 $0x1082;
	s9 =	sld [smem:$0x3FB5]  }
0x2f: {  	lr =	sadd.s32 s0, s3;
	s0 =	sld [smem:$0x3FAC]  }
0x30: {  	s3 =	sld [smem:$0x3FAF]  }
0x31: {  	[smem:$0x3FB8] =	sst s10  }
0x32: {  	s10 =	sld [smem:$0x3FB6];
	_ =	sdelay $0x3  }
0x33: {  	p0 =	seq.s32 s10, $0x1;
	s10 =	sld [smem:$0x3FB8];
	_ =	sdelay $0x3  }
0x34: {  	[smem:$0x3FB8] =	sst s10  }
0x35: {  	s10 =	sld [smem:$0x3FB7];
	_ =	sdelay $0x3  }
0x36: {  	p1 =	seq.s32 s10, $0x1;
	s10 =	sld [smem:$0x3FB8];
	_ =	sdelay $0x3  }
0x37: {  	[smem:$0x3FB8] =	sst s10  }
0x38: {  	s10 =	sld [smem:$0x3FB9]  }
0x39: {  	_ = 	snop;
	(pc) =	sbr.ind lr, $3  }
0x3a: {  	_ = 	snop  }
0x3b: {  	_ = 	snop  }
0x3c: {  	p2 =	seq.s32 s10, $0x1;
	s10 =	sld [smem:$0x3FB8]  }
0x3d: {  	_ =	shalt  }
0x3e: {  	_ =	shalt  }
0x3f: {  	_ =	shalt  }
0x40: {  	_ =	shalt  }
0x41: {  	_ =	shalt  }
0x42: {  	_ =	shalt  }
0x43: {  	_ =	shalt  }
0x44: {  	_ =	shalt  }
0x45: {  	_ =	shalt  }
0x46: {  	_ =	shalt  }
0x47: {  	_ =	shalt  }
0x48: {  	_ =	shalt  }
0x49: {  	_ =	shalt  }
0x4a: {  	_ =	shalt  }
0x4b: {  	_ =	shalt  }
0x4c: {  	_ =	shalt  }
0x4d: {  	_ =	shalt  }
0x4e: {  	_ =	shalt  }
0x4f: {  	_ =	shalt  }
0x50: {  	_ =	shalt  }
0x51: {  	_ =	shalt  }
0x52: {  	_ =	shalt  }
0x53: {  	_ =	shalt  }
0x54: {  	_ =	shalt  }
0x55: {  	_ =	shalt  }
0x56: {  	_ =	shalt  }
0x57: {  	_ =	shalt  }
0x58: {  	_ =	shalt  }
0x59: {  	_ =	shalt  }
0x5a: {  	_ =	shalt  }
0x5b: {  	_ =	shalt  }
0x5c: {  	_ =	shalt  }
0x5d: {  	_ =	shalt  }
0x5e: {  	_ =	shalt  }
0x5f: {  	_ =	shalt  }
0x60: {  	_ =	shalt  }
0x61: {  	_ =	shalt  }
0x62: {  	_ =	shalt  }
0x63: {  	_ =	shalt  }
0x64: {  	_ =	shalt  }
0x65: {  	_ =	shalt  }
0x66: {  	_ =	shalt  }
0x67: {  	_ =	shalt  }
0x68: {  	_ =	shalt  }
0x69: {  	_ =	shalt  }
0x6a: {  	_ =	shalt  }
0x6b: {  	_ =	shalt  }
0x6c: {  	_ =	shalt  }
0x6d: {  	_ =	shalt  }
0x6e: {  	_ =	shalt  }
0x6f: {  	_ =	shalt  }
0x70: {  	_ =	shalt  }
0x71: {  	_ =	shalt  }
0x72: {  	_ =	shalt  }
0x73: {  	_ =	shalt  }
0x74: {  	_ =	shalt  }
0x75: {  	_ =	shalt  }
0x76: {  	_ =	shalt  }
0x77: {  	_ =	shalt  }
0x78: {  	_ =	shalt  }
0x79: {  	_ =	shalt  }
0x7a: {  	_ =	shalt  }
0x7b: {  	_ =	shalt  }
0x7c: {  	_ =	shalt  }
0x7d: {  	_ =	shalt  }
0x7e: {  	_ =	shalt  }
0x7f: {  	_ =	shalt  }
0x80: {  	_ =	shalt  }
0x81: {  	_ =	shalt  }
0x82: {  	_ =	shalt  }
0x83: {  	_ =	shalt  }
0x84: {  	_ =	shalt  }
0x85: {  	_ =	shalt  }
0x86: {  	_ =	shalt  }
0x87: {  	_ =	shalt  }
.Lfunc_end0:
.L_simem_size_0:
called_computation_lowered:
.L_overlay_start_0:
0x88: {  	s2 =	sld [smem:$0x3FD9]  }
0x89: {  	s3 =	sld [smem:$0x3FFE];
	_ =	sdelay $0x1  }
0x8a: {  	s1 =	srdreg.scid  }
0x8b: {  	s0 =	sand.u32 $0x1, s1  }
0x8c: {  	s14 =	sshll.u32 s0, $0xA;
	s2 =	sadd.s32 s3, s2  }
0x8d: {  	s2 =	sadd.s32 s2, s14  }
0x8e: {  	[smem:$0x3FC4] =	sst s2  }
0x8f: {  	_ = 	snop  }
0x90: {  	s2 =	sld [smem:$0x3FD0];
	_ =	sdelay $0x1  }
0x91: {  	s15 =	sld [smem:$0x3FC9]  }
0x92: {  	s5 =	simm.s32 $0xA;
	s6 =	simm.s32 $0x10;
	s4 =	sld [smem:$0x3FC8]  }
0x93: {  	[smem:s6], [sflag:s5] =	dma.local [hbm:s2], $0x1  }
0x94: {  	_ =	swait.eq [sflag:s5], $0x1  }
0x95: {  	[sflag:s5] =	ssyncset.done $0x0  }
0x96: {  	s16 =	sld [smem:$0x10];
	[sflag:s5] =	ssyncadd.s32 $0xFFFFFFFF  }
0x97: {  	s17 =	sld [smem:$0x11];
	(tm) =	ssettm $0x1  }
0x98: {  	s18 =	sld [smem:$0x3FFB];
	_ =	sdelay $0x3  }
0x99: {  	_ =	strace s18  }
0x9a: {  	s6 =	sld [smem:$0x3FFC];
	_ =	sdelay $0x3  }
0x9b: {  	_ =	strace s6  }
0x9c: {  	s6 =	sld [smem:$0x3FFD];
	_ =	sdelay $0x3  }
0x9d: {  	_ =	strace s6  }
0x9e: {  	_ =	strace $0x8FFFFFFF  }
0x9f: {  	s19 =	sld [smem:$0x3FDB];
	_ =	sdelay $0x1  }
0xa0: {  	s7 =	simm.s32 $_scs_section_size  }
0xa1: {  	s8 =	simm.s32 $_size__tile_overlayer_lowered;
	s9 =	simm.s32 $_tile_overlayer_lowered  }
0xa2: {  	s22 =	simm.s32 $0x1BFF;
	s21 =	sshll.u32 s9, $0x1;
	s6 =	sadd.s32 s7, s19  }
0xa3: {  	s10 =	simm.s32 $0x0;
	s20 =	sshll.u32 s8, $0x1;
	s8 =	sadd.s32 s21, s6  }
0xa4: {  	[timem:s10], [sflag:s22] =	dma.local [hbm:s8], s20  }
0xa5: {  	_ =	swait.ge [sflag:s22], s20  }
0xa6: {  	s7 =	ssub.s32 $0x0, s20;
	[sflag:s22] =	ssyncset.done $0x0  }
0xa7: {  	[sflag:s22] =	ssyncadd.s32 s7;
	_ =	sdelay $0x1  }
0xa8: {  	s23 =	simm.s32 $0x1B8B  }
0xa9: {  	_ =	swait.ge [sflag:s23], $0x1  }
0xaa: {  	[sflag:s23] =	ssyncset.done $0x0  }
0xab: {  	s25 =	simm.s32 $0x1B8E;
	s24 =	sld [smem:$0x3FFE];
	[sflag:s23] =	ssyncadd.s32 $0xFFFFFFFF  }
0xac: {  	s26 =	simm.s32 $execute0_lowered;
	[smem:$0x3FD2] =	sst s25  }
0xad: {  	s8 =	sshll.u32 s26, $0x1;
	_ =	strace $0x80000046;
	[dreg:$0x1] =	wrdreg $0xFFFFFFFF  }
0xae: {  	s28 =	simm.s32 $_size_execute0_lowered;
	s6 =	sadd.s32 s6, s8;
	[dreg:$0x0] =	wrdreg $0x0  }
0xaf: {  	s8 =	sshll.u32 s28, $0x1;
	[dreg:$0x2] =	wrdreg s6  }
0xb0: {  	[dreg:$0x3] =	wrdreg s8  }
0xb1: {  	[dreg:$0x4] =	wrdreg $0xC0  }
0xb2: {  	_ =	task [dreg:s10], $0x5FFFF  }
0xb3: {  	[dreg:$0x1] =	wrdreg $0xFFFFFFFF  }
0xb4: {  	[dreg:$0x0] =	wrdreg $0x60  }
0xb5: {  	[dreg:$0x2] =	wrdreg s15  }
0xb6: {  	[dreg:$0x3] =	wrdreg s4  }
0xb7: {  	[dreg:$0x4] =	wrdreg s24  }
0xb8: {  	[dreg:$0x5] =	wrdreg s16  }
0xb9: {  	[dreg:$0x6] =	wrdreg s17  }
0xba: {  	[dreg:$0x7] =	wrdreg $0x9  }
0xbb: {  	_ =	task.clear_ibuf [dreg:s10], $0x8FFFF;
	_ =	strace $0x90000046  }
0xbc: {  	s29 =	simm.s32 $0x9;
	_ =	strace $0x80000048  }
0xbd: {  	_ =	swait.ge [sflag:s29], $0x1  }
0xbe: {  	[sflag:s29] =	ssyncadd.s32 $0xFFFFFFFF  }
0xbf: {  	_ =	strace $0x90000048  }
0xc0: {  	_ =	sfence  }
0xc1: {  	s30 =	sld [smem:$0x0];
	_ =	sdelay $0x2  }
0xc2: {  	s31 =	sshll.u32 s1, $0xD;
	s1 =	sshrl.u32 s1, $0x2  }
0xc3: {  	s3 =	sand.u32 $0x4000, s31;
	s1 =	sadd.s32 s1, s30  }
0xc4: {  	s0 =	sor.u32 s3, s0;
	s1 =	sshll.u32 s1, $0x11  }
0xc5: {  	s0 =	sor.u32 s1, s0  }
0xc6: {  	s0 =	sadd.s32 $0x8F2B, s0  }
0xc7: {  	[sflag:s0] =	ssyncadd.remote.s32 $0x1  }
0xc8: {  	_ =	sfence.sel $0xFFFF  }
0xc9: {  	[dreg:$0x0] =	wrdreg $0xFFFFFFFF;
	(pc) =	sbr.abs _section_cstart, $3  }
0xca: {  	[dreg:$0x1] =	wrdreg $0xFFFFFFFF  }
0xcb: {  	_ =	task.clear_ibuf [dreg:s10], $0x2FFFF;
	_ =	strace $0x9FFFFFFF  }
0xcc: {  	(tm) =	ssettm $0x7FFFFFFF  }
0xcd: {  	_ =	shalt  }
tec
execute0_lowered:
.L_overlay_start_1:
0x0: {  	(tag) =	ssettag $0x1  }
0x1: {  	s3 =	rddreg [dreg:$0x0]  }
0x2: {  	s5 =	rddreg [dreg:$0x1]  }
0x3: {  	s18 =	rddreg [dreg:$0x2]  }
0x4: {  	s19 =	rddreg [dreg:$0x3]  }
0x5: {  	s1 =	srdreg.scid;
	s0 =	stileid.u32  }
0x6: {  	s26 =	rddreg [dreg:$0x4];
	s28 =	sand.u32 $0x1, s1;
	s4 =	sshll.u32 s0, $0x1  }
0x7: {  	s2 =	simm.s32 $0x0;
	s1 =	rddreg [dreg:$0x5];
	s12 =	sor.u32 s28, s4  }
0x8: {  	[smem:$0x7FF] =	sst s2;
	s6 =	sshll.u32 s12, $0x6  }
0x9: {  	_ =	strace $0x80000047;
	s4 =	sadd.s32 s3, s6;
	s3 =	simm.s32 $0x3  }
0xa: {  	[tilespmem:s2], [sflag:$0x3] =	stream.linear.gather [hbm4b:s4+s2], $0x200, $0x38;
	[tilespmem:$0x4400] =	vst v63  }
0xb: {  	_ =	swait.ge [sflag:s3], $0x200  }
0xc: {  	[sflag:s3] =	ssyncset.done $0x0  }
0xd: {  	s5 =	sadd.s32 s5, s6;
	s6 =	simm.s32 $0x200;
	[sflag:s3] =	ssyncadd.s32 $0xFFFFFE00  }
0xe: {  	[tilespmem:s6], [sflag:$0x3] =	stream.linear.gather [hbm4b:s5+s2], $0x200, $0x38;
	[tilespmem:$0x4400] =	vst v63  }
0xf: {  	_ =	swait.ge [sflag:s3], $0x200  }
0x10: {  	s8 =	simm.s32 $0x80;
	[sflag:s3] =	ssyncset.done $0x0  }
0x11: {  	s9 =	simm.s32 $0x400;
	s7 =	sadd.s32 $0xF42C00, s18;
	[sflag:s3] =	ssyncadd.s32 $0xFFFFFE00  }
0x12: {  	[tilespmem:s9], [sflag:$0x1] =	stream.indirect.gather [hbm4b:s7+s8], $0x40, s2, s8, $0xb8;
	[tilespmem:$0x4400] =	vst v63  }
0x13: {  	s10 =	simm.s32 $0x2400;
	s11 =	simm.s32 $0x1  }
0x14: {  	[tilespmem:s10], [sflag:$0x2] =	stream.indirect.gather [hbm4b:s7+s8], $0x40, s8, s8, $0xb8;
	[tilespmem:$0x4400] =	vst v63  }
0x15: {  	_ =	swait.ge [sflag:s11], $0x2000  }
0x16: {  	s21 =	sshll.u32 s12, $0xC;
	[sflag:s11] =	ssyncset.done $0x0  }
0x17: {  	s12 =	sadd.s32 s19, s21;
	[sflag:s11] =	ssyncadd.s32 $0xFFFFE000  }
0x18: {  	[hbm4b:s12+s2] =	stream.linear.scatter [tilespmem:s9], [sflag:$0x3], $0x2000, $0x38;
	[tilespmem:$0x4400] =	vst v63  }
0x19: {  	_ =	swait.ge [sflag:s3], $0x2000  }
0x1a: {  	[sflag:s3] =	ssyncset.done $0x0  }
0x1b: {  	s13 =	simm.s32 $0x100;
	s14 =	simm.s32 $0x2;
	[sflag:s3] =	ssyncadd.s32 $0xFFFFE000  }
0x1c: {  	[tilespmem:s9], [sflag:$0x1] =	stream.indirect.gather [hbm4b:s7+s8], $0x40, s13, s8, $0xb8;
	[tilespmem:$0x4400] =	vst v63  }
0x1d: {  	_ =	swait.ge [sflag:s14], $0x2000  }
0x1e: {  	s23 =	sor.u32 $0x400, s21;
	[sflag:s14] =	ssyncset.done $0x0  }
0x1f: {  	s15 =	sadd.s32 s19, s23;
	[sflag:s14] =	ssyncadd.s32 $0xFFFFE000  }
0x20: {  	[hbm4b:s15+s2] =	stream.linear.scatter [tilespmem:s10], [sflag:$0x3], $0x2000, $0x38;
	[tilespmem:$0x4400] =	vst v63  }
0x21: {  	_ =	swait.ge [sflag:s3], $0x2000  }
0x22: {  	[sflag:s3] =	ssyncset.done $0x0  }
0x23: {  	s16 =	simm.s32 $0x180;
	[sflag:s3] =	ssyncadd.s32 $0xFFFFE000  }
0x24: {  	[tilespmem:s10], [sflag:$0x2] =	stream.indirect.gather [hbm4b:s7+s8], $0x40, s16, s8, $0xb8;
	[tilespmem:$0x4400] =	vst v63  }
0x25: {  	_ =	swait.ge [sflag:s11], $0x2000  }
0x26: {  	s25 =	sor.u32 $0x800, s21;
	[sflag:s11] =	ssyncset.done $0x0  }
0x27: {  	s17 =	sadd.s32 s19, s25;
	[sflag:s11] =	ssyncadd.s32 $0xFFFFE000  }
0x28: {  	[hbm4b:s17+s2] =	stream.linear.scatter [tilespmem:s9], [sflag:$0x3], $0x2000, $0x38;
	[tilespmem:$0x4400] =	vst v63  }
0x29: {  	_ =	swait.ge [sflag:s3], $0x2000  }
0x2a: {  	[sflag:s3] =	ssyncset.done $0x0  }
0x2b: {  	s18 =	sadd.s32 $0x16E3E00, s18;
	[sflag:s3] =	ssyncadd.s32 $0xFFFFE000  }
0x2c: {  	[tilespmem:s9], [sflag:$0x1] =	stream.indirect.gather [hbm4b:s18+s8], $0x40, s6, s8, $0xb8;
	[tilespmem:$0x4400] =	vst v63  }
0x2d: {  	_ =	swait.ge [sflag:s14], $0x2000  }
0x2e: {  	s29 =	sor.u32 $0xC00, s21;
	[sflag:s14] =	ssyncset.done $0x0  }
0x2f: {  	s19 =	sadd.s32 s19, s29;
	[sflag:s14] =	ssyncadd.s32 $0xFFFFE000  }
0x30: {  	[hbm4b:s19+s2] =	stream.linear.scatter [tilespmem:s10], [sflag:$0x3], $0x2000, $0x38;
	[tilespmem:$0x4400] =	vst v63  }
0x31: {  	_ =	swait.ge [sflag:s3], $0x2000  }
0x32: {  	[sflag:s3] =	ssyncset.done $0x0  }
0x33: {  	s20 =	simm.s32 $0x280;
	[sflag:s3] =	ssyncadd.s32 $0xFFFFE000  }
0x34: {  	[tilespmem:s10], [sflag:$0x2] =	stream.indirect.gather [hbm4b:s18+s8], $0x40, s20, s8, $0xb8;
	[tilespmem:$0x4400] =	vst v63  }
0x35: {  	_ =	swait.ge [sflag:s11], $0x2000  }
0x36: {  	[sflag:s11] =	ssyncset.done $0x0  }
0x37: {  	s21 =	sadd.s32 s26, s21;
	[sflag:s11] =	ssyncadd.s32 $0xFFFFE000  }
0x38: {  	[hbm4b:s21+s2] =	stream.linear.scatter [tilespmem:s9], [sflag:$0x3], $0x2000, $0x38;
	[tilespmem:$0x4400] =	vst v63  }
0x39: {  	_ =	swait.ge [sflag:s3], $0x2000  }
0x3a: {  	[sflag:s3] =	ssyncset.done $0x0  }
0x3b: {  	s22 =	simm.s32 $0x300;
	[sflag:s3] =	ssyncadd.s32 $0xFFFFE000  }
0x3c: {  	[tilespmem:s9], [sflag:$0x1] =	stream.indirect.gather [hbm4b:s18+s8], $0x40, s22, s8, $0xb8;
	[tilespmem:$0x4400] =	vst v63  }
0x3d: {  	_ =	swait.ge [sflag:s14], $0x2000  }
0x3e: {  	[sflag:s14] =	ssyncset.done $0x0  }
0x3f: {  	s23 =	sadd.s32 s26, s23;
	[sflag:s14] =	ssyncadd.s32 $0xFFFFE000  }
0x40: {  	[hbm4b:s23+s2] =	stream.linear.scatter [tilespmem:s10], [sflag:$0x3], $0x2000, $0x38;
	[tilespmem:$0x4400] =	vst v63  }
0x41: {  	_ =	swait.ge [sflag:s3], $0x2000  }
0x42: {  	[sflag:s3] =	ssyncset.done $0x0  }
0x43: {  	s24 =	simm.s32 $0x380;
	[sflag:s3] =	ssyncadd.s32 $0xFFFFE000  }
0x44: {  	[tilespmem:s10], [sflag:$0x2] =	stream.indirect.gather [hbm4b:s18+s8], $0x40, s24, s8, $0xb8;
	[tilespmem:$0x4400] =	vst v63  }
0x45: {  	_ =	swait.ge [sflag:s11], $0x2000  }
0x46: {  	[sflag:s11] =	ssyncset.done $0x0  }
0x47: {  	s28 =	ssub.s32 $0x2, s28;
	s25 =	sadd.s32 s26, s25;
	[sflag:s11] =	ssyncadd.s32 $0xFFFFE000  }
0x48: {  	[hbm4b:s25+s2] =	stream.linear.scatter [tilespmem:s9], [sflag:$0x3], $0x2000, $0x38;
	[tilespmem:$0x4400] =	vst v63  }
0x49: {  	s30 =	sshrl.u32 s28, $0x1;
	_ =	swait.ge [sflag:s3], $0x2000  }
0x4a: {  	s28 =	ssub.s32 s28, s30;
	[sflag:s3] =	ssyncset.done $0x0  }
0x4b: {  	s28 =	smax.u32 s28, $0x1;
	[sflag:s3] =	ssyncadd.s32 $0xFFFFE000  }
0x4c: {  	p0 =	sne.s32 s28, $0x1;
	_ =	swait.ge [sflag:s14], $0x2000  }
.Ltmp0:
0x4d: {  	[sflag:s14] =	ssyncset.done $0x0;
	(pc) =	sbr.rel @!p0 .LBB2_2-.Ltmp0, $4  }
0x4e: {  	s26 =	sadd.s32 s26, s29;
	[sflag:s14] =	ssyncadd.s32 $0xFFFFE000  }
0x4f: {  	[hbm4b:s26+s2] =	stream.linear.scatter [tilespmem:s10], [sflag:$0x3], $0x2000, $0x38;
	[tilespmem:$0x4400] =	vst v63  }
0x50: {  	_ =	swait.ge [sflag:s3], $0x2000  }
0x51: {  	s28 =	sadd.s32 $0xFFFFFFFF, s28;
	[sflag:s3] =	ssyncset.done $0x0  }
.LBB2_1:
0x52: {  	p0 =	sne.s32 s28, $0x1;
	s28 =	sadd.s32 $0xFFFFFFFF, s28;
	[sflag:s3] =	ssyncadd.s32 $0xFFFFE000  }
0x53: {  	[tilespmem:s2], [sflag:$0x3] =	stream.linear.gather [hbm4b:s4+s2], $0x200, $0x38;
	[tilespmem:$0x4400] =	vst v63  }
0x54: {  	_ =	swait.ge [sflag:s3], $0x200  }
0x55: {  	[sflag:s3] =	ssyncset.done $0x0  }
0x56: {  	[sflag:s3] =	ssyncadd.s32 $0xFFFFFE00  }
0x57: {  	[tilespmem:s6], [sflag:$0x3] =	stream.linear.gather [hbm4b:s5+s2], $0x200, $0x38;
	[tilespmem:$0x4400] =	vst v63  }
0x58: {  	_ =	swait.ge [sflag:s3], $0x200  }
0x59: {  	[sflag:s3] =	ssyncset.done $0x0  }
0x5a: {  	[sflag:s3] =	ssyncadd.s32 $0xFFFFFE00  }
0x5b: {  	[tilespmem:s9], [sflag:$0x1] =	stream.indirect.gather [hbm4b:s7+s8], $0x40, s2, s8, $0xb8;
	[tilespmem:$0x4400] =	vst v63  }
0x5c: {  	_ = 	snop  }
0x5d: {  	[tilespmem:s10], [sflag:$0x2] =	stream.indirect.gather [hbm4b:s7+s8], $0x40, s8, s8, $0xb8;
	[tilespmem:$0x4400] =	vst v63  }
0x5e: {  	_ =	swait.ge [sflag:s11], $0x2000  }
0x5f: {  	[sflag:s11] =	ssyncset.done $0x0  }
0x60: {  	[sflag:s11] =	ssyncadd.s32 $0xFFFFE000  }
0x61: {  	[hbm4b:s12+s2] =	stream.linear.scatter [tilespmem:s9], [sflag:$0x3], $0x2000, $0x38;
	[tilespmem:$0x4400] =	vst v63  }
0x62: {  	_ =	swait.ge [sflag:s3], $0x2000  }
0x63: {  	[sflag:s3] =	ssyncset.done $0x0  }
0x64: {  	[sflag:s3] =	ssyncadd.s32 $0xFFFFE000  }
0x65: {  	[tilespmem:s9], [sflag:$0x1] =	stream.indirect.gather [hbm4b:s7+s8], $0x40, s13, s8, $0xb8;
	[tilespmem:$0x4400] =	vst v63  }
0x66: {  	_ =	swait.ge [sflag:s14], $0x2000  }
0x67: {  	[sflag:s14] =	ssyncset.done $0x0  }
0x68: {  	[sflag:s14] =	ssyncadd.s32 $0xFFFFE000  }
0x69: {  	[hbm4b:s15+s2] =	stream.linear.scatter [tilespmem:s10], [sflag:$0x3], $0x2000, $0x38;
	[tilespmem:$0x4400] =	vst v63  }
0x6a: {  	_ =	swait.ge [sflag:s3], $0x2000  }
0x6b: {  	[sflag:s3] =	ssyncset.done $0x0  }
0x6c: {  	[sflag:s3] =	ssyncadd.s32 $0xFFFFE000  }
0x6d: {  	[tilespmem:s10], [sflag:$0x2] =	stream.indirect.gather [hbm4b:s7+s8], $0x40, s16, s8, $0xb8;
	[tilespmem:$0x4400] =	vst v63  }
0x6e: {  	_ =	swait.ge [sflag:s11], $0x2000  }
0x6f: {  	[sflag:s11] =	ssyncset.done $0x0  }
0x70: {  	[sflag:s11] =	ssyncadd.s32 $0xFFFFE000  }
0x71: {  	[hbm4b:s17+s2] =	stream.linear.scatter [tilespmem:s9], [sflag:$0x3], $0x2000, $0x38;
	[tilespmem:$0x4400] =	vst v63  }
0x72: {  	_ =	swait.ge [sflag:s3], $0x2000  }
0x73: {  	[sflag:s3] =	ssyncset.done $0x0  }
0x74: {  	[sflag:s3] =	ssyncadd.s32 $0xFFFFE000  }
0x75: {  	[tilespmem:s9], [sflag:$0x1] =	stream.indirect.gather [hbm4b:s18+s8], $0x40, s6, s8, $0xb8;
	[tilespmem:$0x4400] =	vst v63  }
0x76: {  	_ =	swait.ge [sflag:s14], $0x2000  }
0x77: {  	[sflag:s14] =	ssyncset.done $0x0  }
0x78: {  	[sflag:s14] =	ssyncadd.s32 $0xFFFFE000  }
0x79: {  	[hbm4b:s19+s2] =	stream.linear.scatter [tilespmem:s10], [sflag:$0x3], $0x2000, $0x38;
	[tilespmem:$0x4400] =	vst v63  }
0x7a: {  	_ =	swait.ge [sflag:s3], $0x2000  }
0x7b: {  	[sflag:s3] =	ssyncset.done $0x0  }
0x7c: {  	[sflag:s3] =	ssyncadd.s32 $0xFFFFE000  }
0x7d: {  	[tilespmem:s10], [sflag:$0x2] =	stream.indirect.gather [hbm4b:s18+s8], $0x40, s20, s8, $0xb8;
	[tilespmem:$0x4400] =	vst v63  }
0x7e: {  	_ =	swait.ge [sflag:s11], $0x2000  }
0x7f: {  	[sflag:s11] =	ssyncset.done $0x0  }
0x80: {  	[sflag:s11] =	ssyncadd.s32 $0xFFFFE000  }
0x81: {  	[hbm4b:s21+s2] =	stream.linear.scatter [tilespmem:s9], [sflag:$0x3], $0x2000, $0x38;
	[tilespmem:$0x4400] =	vst v63  }
0x82: {  	_ =	swait.ge [sflag:s3], $0x2000  }
0x83: {  	[sflag:s3] =	ssyncset.done $0x0  }
0x84: {  	[sflag:s3] =	ssyncadd.s32 $0xFFFFE000  }
0x85: {  	[tilespmem:s9], [sflag:$0x1] =	stream.indirect.gather [hbm4b:s18+s8], $0x40, s22, s8, $0xb8;
	[tilespmem:$0x4400] =	vst v63  }
0x86: {  	_ =	swait.ge [sflag:s14], $0x2000  }
0x87: {  	[sflag:s14] =	ssyncset.done $0x0  }
0x88: {  	[sflag:s14] =	ssyncadd.s32 $0xFFFFE000  }
0x89: {  	[hbm4b:s23+s2] =	stream.linear.scatter [tilespmem:s10], [sflag:$0x3], $0x2000, $0x38;
	[tilespmem:$0x4400] =	vst v63  }
0x8a: {  	_ =	swait.ge [sflag:s3], $0x2000  }
0x8b: {  	[sflag:s3] =	ssyncset.done $0x0  }
0x8c: {  	[sflag:s3] =	ssyncadd.s32 $0xFFFFE000  }
0x8d: {  	[tilespmem:s10], [sflag:$0x2] =	stream.indirect.gather [hbm4b:s18+s8], $0x40, s24, s8, $0xb8;
	[tilespmem:$0x4400] =	vst v63  }
0x8e: {  	_ =	swait.ge [sflag:s11], $0x2000  }
0x8f: {  	[sflag:s11] =	ssyncset.done $0x0  }
0x90: {  	[sflag:s11] =	ssyncadd.s32 $0xFFFFE000  }
0x91: {  	[hbm4b:s25+s2] =	stream.linear.scatter [tilespmem:s9], [sflag:$0x3], $0x2000, $0x38;
	[tilespmem:$0x4400] =	vst v63  }
0x92: {  	_ =	swait.ge [sflag:s3], $0x2000  }
0x93: {  	[sflag:s3] =	ssyncset.done $0x0  }
0x94: {  	[sflag:s3] =	ssyncadd.s32 $0xFFFFE000  }
0x95: {  	_ =	swait.ge [sflag:s14], $0x2000  }
.Ltmp1:
0x96: {  	[sflag:s14] =	ssyncset.done $0x0;
	(pc) =	sbr.rel @p0 .LBB2_1-.Ltmp1, $4  }
0x97: {  	[sflag:s14] =	ssyncadd.s32 $0xFFFFE000  }
0x98: {  	[hbm4b:s26+s2] =	stream.linear.scatter [tilespmem:s10], [sflag:$0x3], $0x2000, $0x38;
	[tilespmem:$0x4400] =	vst v63  }
0x99: {  	_ =	swait.ge [sflag:s3], $0x2000  }
0x9a: {  	[sflag:s3] =	ssyncset.done $0x0  }
.LBB2_2:
0x9b: {  	[sflag:s3] =	ssyncadd.s32 $0xFFFFE000  }
0x9c: {  	_ =	sfence.sel $0x180000  }
0x9d: {  	[bflag:$0x0] =	sbarrier.arrive $0xFFFF  }
0x9e: {  	p0 =	sne.s32 s0, $0x0;
	_ =	strace $0x90000047  }
0x9f: {  	s0 =	sadd.s32 @!p0 $0x100000, s1;
	[bflag:$0x2] =	sbarrier.arrive $0xFFFF  }
0xa0: {  	[sflag:s0] =	ssyncadd.tile.s32 @!p0 $0x1;
	_ =	shalt  }
.Lfunc_end2:
_tile_overlayer_lowered:
.L_overlay_start_2:
0xa1: {  	(tag) =	ssettag $0x2  }
0xa2: {  	s0 =	rddreg [dreg:$0x0];
	s2 =	stileid.u32  }
0xa3: {  	s1 =	rddreg [dreg:$0x1];
	p0 =	sne.s32 s2, $0x0  }
0xa4: {  	s3 =	rddreg [dreg:$0x2];
	[bflag:$0x3] =	sbarrier.arrive $0xFFFF;
	s2 =	simm.s32 @!p0 $0x1C03  }
0xa5: {  	[timem:s3], [sflag:s2] =	dma.local @!p0 [hbm:s0], s1  }
0xa6: {  	s0 =	simm.s32 @!p0 $0x3  }
0xa7: {  	_ =	swait.ge @!p0 [sflag:s0], s1  }
0xa8: {  	s1 =	ssub.s32 @!p0 $0x0, s1;
	[sflag:s0] =	ssyncset.done @!p0 $0x0  }
0xa9: {  	[sflag:s0] =	ssyncadd.s32 @!p0 s1  }
0xaa: {  	[bflag:$0x3] =	sbarrier.arrive $0xFFFF  }
0xab: {  	_ =	shalt  }

</sc_bundles>
